<compile_context>
chip_gen: v7x
topology: tpu7x:2x2x1
jax: 0.10.2.dev20260603
libtpu: 0.0.44.dev20260713+nightly
codegen_flags: <defaults>
</compile_context>

<pallas_src>
import functools

import jax
import jax.numpy as jnp
from jax import lax
from jax.experimental import pallas as pl
from jax.experimental.pallas import tpu as pltpu
from jax.experimental.pallas import tpu_sc as plsc

B = 1024
D = 768
K = 100000

KBLK = 1000
NKB = K // KBLK

CB = 512
NCH = B // CB


def _argmin_body(emb_ref, cmd_ref, idx_ref, val_scr, idx_scr, embt_scr):
    kb = pl.program_id(0)

    @pl.when(kb == 0)
    def _init():
        embt_scr[...] = emb_ref[...].T
        val_scr[...] = jnp.full((1, B), jnp.inf, jnp.float32)
        idx_scr[...] = jnp.zeros((1, B), jnp.int32)

    cmd = cmd_ref[...]
    c_sq = 0.5 * jnp.sum(cmd * cmd, axis=1, keepdims=True)
    rowf = lax.broadcasted_iota(jnp.int32, (KBLK, 1), 0).astype(jnp.float32)
    base = kb * KBLK

    def _mm(j):
        return lax.dot_general(
            cmd, embt_scr[:, j * CB:(j + 1) * CB], (((1,), (0,)), ((), ())),
            preferred_element_type=jnp.float32)

    dots = _mm(0)
    for j in range(NCH):
        sl = slice(j * CB, (j + 1) * CB)
        score = c_sq - dots
        if j + 1 < NCH:
            dots = _mm(j + 1)
        blk_min = jnp.min(score, axis=0, keepdims=True)
        blk_idxf = jnp.min(
            jnp.where(score == blk_min, rowf, jnp.inf), axis=0, keepdims=True)
        better = blk_min < val_scr[:, sl]
        val_scr[:, sl] = jnp.where(better, blk_min, val_scr[:, sl])
        idx_scr[:, sl] = jnp.where(
            better, base + blk_idxf.astype(jnp.int32), idx_scr[:, sl])

    @pl.when(kb == NKB - 1)
    def _out():
        idx_ref[...] = idx_scr[...]


def _nearest_idx(embed, command_embeds):
    idx2d = pl.pallas_call(
        _argmin_body,
        grid=(NKB,),
        in_specs=[
            pl.BlockSpec((B, D), lambda k: (0, 0)),
            pl.BlockSpec((KBLK, D), lambda k: (k, 0)),
        ],
        out_specs=pl.BlockSpec((1, B), lambda k: (0, 0)),
        out_shape=jax.ShapeDtypeStruct((1, B), jnp.int32),
        scratch_shapes=[
            pltpu.VMEM((1, B), jnp.float32),
            pltpu.VMEM((1, B), jnp.int32),
            pltpu.VMEM((D, B), jnp.float32),
        ],
    )(embed, command_embeds)
    return idx2d.reshape(B)


_NC = 2
_NS = 16
_NW = _NC * _NS
_BPW = B // _NW


@functools.cache
def _sc_gather():
    @functools.partial(
        pl.kernel,
        mesh=plsc.VectorSubcoreMesh(core_axis_name="c", subcore_axis_name="s"),
        out_type=jax.ShapeDtypeStruct((B, D), jnp.float32),
        scratch_types=[
            pltpu.VMEM((_BPW,), jnp.int32),
            pltpu.VMEM((_BPW, D), jnp.float32),
            pltpu.SemaphoreType.DMA,
        ],
    )
    def gather(table_hbm, idx_hbm, out_hbm, idx_v, rows_v, sem):
        wid = lax.axis_index("s") * _NC + lax.axis_index("c")
        base = wid * _BPW
        pltpu.sync_copy(idx_hbm.at[pl.ds(base, _BPW)], idx_v)
        pltpu.async_copy(table_hbm.at[idx_v], rows_v, sem).wait()
        pltpu.sync_copy(rows_v, out_hbm.at[pl.ds(base, _BPW)])

    return gather


def kernel(embed, command_embeds):
    idx = _nearest_idx(embed, command_embeds)
    return _sc_gather()(command_embeds, idx)

# --- scband reference (transcript-rebuilt; emitter-appended) ---
"""Pipeline reference for scband-commands-indexer-11012296146972 (READ-ONLY COPY).

The authoritative reference and input builder live on the scoring server;
editing this copy changes nothing except your own understanding.
"""

import jax, jax.numpy as jnp
import numpy as np

K = 100000  # number of indexed commands (production-scale index)
D = 768     # DistilBert embedding dim
B = 1024    # query batch


def setup_inputs(seed: int = 0) -> dict:
    key = jax.random.key(seed)
    k1, k2 = jax.random.split(key)
    embed = jax.random.normal(k1, (B, D), dtype=jnp.float32)
    # learned/buffered index: command_embeds produced at __init__ time by the text encoder
    command_embeds = jax.random.normal(k2, (K, D), dtype=jnp.float32)
    return {"embed": embed, "command_embeds": command_embeds}


def reference(embed, command_embeds):
    # Faithful translation of faiss exact L2 search with k=1 followed by a gather
    # of the closest stored embeddings (the module's forward path with
    # return_strings=False).
    q_sq = jnp.sum(embed * embed, axis=1, keepdims=True)          # [B, 1]
    c_sq = jnp.sum(command_embeds * command_embeds, axis=1)       # [K]
    dots = embed @ command_embeds.T                                # [B, K] (compute-dominant)
    dist = q_sq - 2.0 * dots + c_sq[None, :]                       # squared L2 distances
    index = jnp.argmin(dist, axis=1)                               # top-1 nearest neighbor
    closest_embeds = jnp.take(command_embeds, index, axis=0)       # gather [B, D]
    return closest_embeds

if __name__ == "__main__":
    import jax
    _d = setup_inputs()
    print(jax.jit(kernel)(*tuple(_d.values())))

</pallas_src>

<mosaic_0001>
#map = affine_map<(d0, d1) -> (0, 0)>
#map1 = affine_map<(d0, d1) -> (0)>
module attributes {stable_mosaic.version = 14 : i64} {
  func.func @gather(%arg0: i32, %arg1: i32, %arg2: memref<100000x768xf32, #tpu.memory_space<hbm>>, %arg3: memref<1024xi32, #tpu.memory_space<hbm>>, %arg4: memref<1024x768xf32, #tpu.memory_space<hbm>>, %arg5: memref<32xi32, #tpu.memory_space<vmem>>, %arg6: memref<32x768xf32, #tpu.memory_space<vmem>>, %arg7: memref<!tpu.dma_semaphore, #tpu.memory_space<semaphore_mem>>) attributes {dimension_semantics = [#tpu.dimension_semantics<core_parallel>, #tpu.dimension_semantics<subcore_parallel>], iteration_bounds = array<i64: 2, 16>, scalar_prefetch = 0 : i64, scratch_operands = 3 : i64, tpu.core_type = #tpu.core_type<sc_vector_subcore>, window_params = [{transform_indices = #map}, {transform_indices = #map1}, {transform_indices = #map}]} {
    %mul3A = arith.constant 2 : i32
    %mul3A_0 = arith.muli %arg1, %mul3A : i32
    %add3A = arith.addi %mul3A_0, %arg0 : i32
    %mul3A_1 = arith.constant 32 : i32
    %mul3A_2 = arith.muli %add3A, %mul3A_1 : i32
    "tpu.region"() ({
      %run_scoped3A = tpu.sem_alloc : memref<!tpu.dma_semaphore, #tpu.memory_space<semaphore_mem>>
      %dma_start3A_7 = tpu.memref_slice %arg3[%mul3A_2] : memref<1024xi32, #tpu.memory_space<hbm>> -> memref<32xi32, #tpu.memory_space<hbm>>
      %dma_start3A_8 = tpu.memref_slice %arg3[%mul3A_2] : memref<1024xi32, #tpu.memory_space<hbm>> -> memref<32xi32, #tpu.memory_space<hbm>>
      tpu.enqueue_dma source(%dma_start3A_8 : memref<32xi32, #tpu.memory_space<hbm>>) target(%arg5 : memref<32xi32, #tpu.memory_space<vmem>>) target_semaphore(%run_scoped3A : memref<!tpu.dma_semaphore, #tpu.memory_space<semaphore_mem>>)
      %dma_wait3A_9 = tpu.memref_slice %arg3[%mul3A_2] : memref<1024xi32, #tpu.memory_space<hbm>> -> memref<32xi32, #tpu.memory_space<hbm>>
      %dma_wait3A_10 = tpu.memref_slice %arg3[%mul3A_2] : memref<1024xi32, #tpu.memory_space<hbm>> -> memref<32xi32, #tpu.memory_space<hbm>>
      tpu.wait_dma2 semaphore(%run_scoped3A : memref<!tpu.dma_semaphore, #tpu.memory_space<semaphore_mem>>) src(%dma_wait3A_10 : memref<32xi32, #tpu.memory_space<hbm>>) dst(%arg5 : memref<32xi32, #tpu.memory_space<vmem>>)
      tpu.yield
    }) : () -> ()
    %dma_start3A = arith.constant 0 : i32
    %dma_start3A_3 = arith.constant 0 : i32
    %dma_start3A_4 = tpu.memref_slice %arg2[%dma_start3A, %dma_start3A_3] : memref<100000x768xf32, #tpu.memory_space<hbm>> -> memref<100000x768xf32, #tpu.memory_space<hbm>>
    tpu.enqueue_indirect_dma source(%dma_start3A_4 : memref<100000x768xf32, #tpu.memory_space<hbm>>) target(%arg6 : memref<32x768xf32, #tpu.memory_space<vmem>>) offsets(%arg5 : memref<32xi32, #tpu.memory_space<vmem>>) semaphore(%arg7 : memref<!tpu.dma_semaphore, #tpu.memory_space<semaphore_mem>>)
    %dma_wait3A = arith.constant 0 : i32
    %dma_wait3A_5 = arith.constant 0 : i32
    %dma_wait3A_6 = tpu.memref_slice %arg2[%dma_wait3A, %dma_wait3A_5] : memref<100000x768xf32, #tpu.memory_space<hbm>> -> memref<100000x768xf32, #tpu.memory_space<hbm>>
    tpu.wait_indirect_dma semaphore(%arg7 : memref<!tpu.dma_semaphore, #tpu.memory_space<semaphore_mem>>) src(%dma_wait3A_6 : memref<100000x768xf32, #tpu.memory_space<hbm>>) dst(%arg6 : memref<32x768xf32, #tpu.memory_space<vmem>>)
    "tpu.region"() ({
      %run_scoped3A = tpu.sem_alloc : memref<!tpu.dma_semaphore, #tpu.memory_space<semaphore_mem>>
      %dma_start3A_7 = arith.constant 0 : i32
      %dma_start3A_8 = tpu.memref_slice %arg4[%mul3A_2, %dma_start3A_7] : memref<1024x768xf32, #tpu.memory_space<hbm>> -> memref<32x768xf32, #tpu.memory_space<hbm>>
      %dma_start3A_9 = arith.constant 0 : i32
      %dma_start3A_10 = tpu.memref_slice %arg4[%mul3A_2, %dma_start3A_9] : memref<1024x768xf32, #tpu.memory_space<hbm>> -> memref<32x768xf32, #tpu.memory_space<hbm>>
      tpu.enqueue_dma source(%arg6 : memref<32x768xf32, #tpu.memory_space<vmem>>) target(%dma_start3A_10 : memref<32x768xf32, #tpu.memory_space<hbm>>) target_semaphore(%run_scoped3A : memref<!tpu.dma_semaphore, #tpu.memory_space<semaphore_mem>>)
      %dma_wait3A_11 = arith.constant 0 : i32
      %dma_wait3A_12 = tpu.memref_slice %arg4[%mul3A_2, %dma_wait3A_11] : memref<1024x768xf32, #tpu.memory_space<hbm>> -> memref<32x768xf32, #tpu.memory_space<hbm>>
      %dma_wait3A_13 = arith.constant 0 : i32
      %dma_wait3A_14 = tpu.memref_slice %arg4[%mul3A_2, %dma_wait3A_13] : memref<1024x768xf32, #tpu.memory_space<hbm>> -> memref<32x768xf32, #tpu.memory_space<hbm>>
      tpu.wait_dma2 semaphore(%run_scoped3A : memref<!tpu.dma_semaphore, #tpu.memory_space<semaphore_mem>>) src(%arg6 : memref<32x768xf32, #tpu.memory_space<vmem>>) dst(%dma_wait3A_14 : memref<32x768xf32, #tpu.memory_space<hbm>>)
      tpu.yield
    }) : () -> ()
    return
  }
}

module attributes {stable_mosaic.version = 14 : i64} {
  func.func @_argmin_body(%arg0: i32, %arg1: memref<1024x768xf32, #tpu.memory_space<vmem>>, %arg2: memref<1000x768xf32, #tpu.memory_space<vmem>>, %arg3: memref<1x1024xi32, #tpu.memory_space<vmem>>, %arg4: memref<1x1024xf32, #tpu.memory_space<vmem>>, %arg5: memref<1x1024xi32, #tpu.memory_space<vmem>>, %arg6: memref<768x1024xf32, #tpu.memory_space<vmem>>) attributes {dimension_semantics = [#tpu.dimension_semantics<arbitrary>], iteration_bounds = array<i64: 100>, scalar_prefetch = 0 : i64, scratch_operands = 3 : i64, tpu.core_type = #tpu.core_type<tc>, window_params = [{pipeline_mode = #tpu.pipeline_mode<synchronous>, transform_indices = @transform_0, window_bounds = array<i64: 1024, 768>}, {transform_indices = @transform_1, window_bounds = array<i64: 1000, 768>}, {pipeline_mode = #tpu.pipeline_mode<synchronous>, transform_indices = @transform_2, window_bounds = array<i64: 1, 1024>}]} {
    %eq3A = arith.constant 0 : i32
    %eq3A_0 = arith.cmpi eq, %arg0, %eq3A : i32
    %convert_element_type3A = arith.extui %eq3A_0 : i1 to i32
    %cond3A = arith.constant 0 : i32
    %cond3A_1 = arith.cmpi ne, %convert_element_type3A, %cond3A : i32
    scf.if %cond3A_1 {
      %get3A_90 = arith.constant 0 : index
      %get3A_91 = arith.constant 0 : index
      %get3A_92 = vector.load %arg1[%get3A_90, %get3A_91] : memref<1024x768xf32, #tpu.memory_space<vmem>>, vector<1024x768xf32>
      %transpose3A = tpu.transpose %get3A_92, [1, 0] : vector<1024x768xf32> -> vector<768x1024xf32>
      %swap3A_93 = arith.constant 0 : index
      %swap3A_94 = arith.constant 0 : index
      %swap3A_95 = vector.load %arg6[%swap3A_93, %swap3A_94] : memref<768x1024xf32, #tpu.memory_space<vmem>>, vector<768x1024xf32>
      tpu.vector_store %arg6[%swap3A_93, %swap3A_94], %transpose3A {strides = array<i32>} : memref<768x1024xf32, #tpu.memory_space<vmem>>, vector<768x1024xf32>,
      %broadcast_in_dim3A_96 = arith.constant 0x7F800000 : f32
      %broadcast_in_dim3A_97 = vector.broadcast %broadcast_in_dim3A_96 : f32 to vector<1x1024xf32>
      %swap3A_98 = arith.constant 0 : index
      %swap3A_99 = arith.constant 0 : index
      %swap3A_100 = vector.load %arg4[%swap3A_98, %swap3A_99] : memref<1x1024xf32, #tpu.memory_space<vmem>>, vector<1x1024xf32>
      tpu.vector_store %arg4[%swap3A_98, %swap3A_99], %broadcast_in_dim3A_97 {strides = array<i32>} : memref<1x1024xf32, #tpu.memory_space<vmem>>, vector<1x1024xf32>,
      %broadcast_in_dim3A_101 = arith.constant 0 : i32
      %broadcast_in_dim3A_102 = vector.broadcast %broadcast_in_dim3A_101 : i32 to vector<1x1024xi32>
      %swap3A_103 = arith.constant 0 : index
      %swap3A_104 = arith.constant 0 : index
      %swap3A_105 = vector.load %arg5[%swap3A_103, %swap3A_104] : memref<1x1024xi32, #tpu.memory_space<vmem>>, vector<1x1024xi32>
      tpu.vector_store %arg5[%swap3A_103, %swap3A_104], %broadcast_in_dim3A_102 {strides = array<i32>} : memref<1x1024xi32, #tpu.memory_space<vmem>>, vector<1x1024xi32>,
    } else {
    }
    %get3A = arith.constant 0 : index
    %get3A_2 = arith.constant 0 : index
    %get3A_3 = vector.load %arg2[%get3A, %get3A_2] : memref<1000x768xf32, #tpu.memory_space<vmem>>, vector<1000x768xf32>
    %mul3A = arith.mulf %get3A_3, %get3A_3 : vector<1000x768xf32>
    %reduce_sum3A = arith.constant dense<0.000000e+00> : vector<1000xf32>
    %reduce_sum3A_4 = vector.multi_reduction <add>, %mul3A, %reduce_sum3A [1] : vector<1000x768xf32> to vector<1000xf32>
    %broadcast_in_dim3A = vector.shape_cast %reduce_sum3A_4 : vector<1000xf32> to vector<1000x1xf32>
    %mul3A_5 = arith.constant 5.000000e-01 : f32
    %mul3A_6 = vector.broadcast %mul3A_5 : f32 to vector<1000x1xf32>
    %mul3A_7 = arith.mulf %mul3A_6, %broadcast_in_dim3A : vector<1000x1xf32>
    %iota3A = tpu.iota {dimensions = array<i32: 0>} : vector<1000x1xi32>
    %convert_element_type3A_8 = arith.sitofp %iota3A : vector<1000x1xi32> to vector<1000x1xf32>
    %mul3A_9 = arith.constant 1000 : i32
    %mul3A_10 = arith.muli %arg0, %mul3A_9 : i32
    %get3A_11 = arith.constant 0 : index
    %get3A_12 = arith.constant 0 : index
    %get3A_13 = vector.load %arg6[%get3A_11, %get3A_12] : memref<768x1024xf32, #tpu.memory_space<vmem>>, vector<768x512xf32>
    %dot_general3A = arith.constant dense<0.000000e+00> : vector<1000x512xf32>
    %dot_general3A_14 = tpu.matmul %get3A_3, %get3A_13, %dot_general3A {dimension_numbers = #tpu.dot_dimension_numbers<[1], [0], [0], [1], [0, 0, 1, 1], [], []>, transpose_lhs_hint = false} : vector<1000x768xf32>, vector<768x512xf32>, vector<1000x512xf32> -> vector<1000x512xf32>
    %sub3A = vector.broadcast %mul3A_7 : vector<1000x1xf32> to vector<1000x512xf32>
    %sub3A_15 = arith.subf %sub3A, %dot_general3A_14 : vector<1000x512xf32>
    %get3A_16 = arith.constant 0 : index
    %get3A_17 = arith.constant 512 : index
    %get3A_18 = vector.load %arg6[%get3A_16, %get3A_17] : memref<768x1024xf32, #tpu.memory_space<vmem>>, vector<768x512xf32>
    %dot_general3A_19 = arith.constant dense<0.000000e+00> : vector<1000x512xf32>
    %dot_general3A_20 = tpu.matmul %get3A_3, %get3A_18, %dot_general3A_19 {dimension_numbers = #tpu.dot_dimension_numbers<[1], [0], [0], [1], [0, 0, 1, 1], [], []>, transpose_lhs_hint = false} : vector<1000x768xf32>, vector<768x512xf32>, vector<1000x512xf32> -> vector<1000x512xf32>
    %reduce_min3A = arith.constant dense<0x7F800000> : vector<512xf32>
    %reduce_min3A_21 = vector.multi_reduction <minimumf>, %sub3A_15, %reduce_min3A [0] : vector<1000x512xf32> to vector<512xf32>
    %broadcast_in_dim3A_22 = vector.shape_cast %reduce_min3A_21 : vector<512xf32> to vector<1x512xf32>
    %eq3A_23 = vector.broadcast %broadcast_in_dim3A_22 : vector<1x512xf32> to vector<1000x512xf32>
    %eq3A_24 = arith.cmpf oeq, %sub3A_15, %eq3A_23 : vector<1000x512xf32>
    %jit3A = arith.constant 0x7F800000 : f32
    %broadcast_in_dim3A_25 = vector.shape_cast %convert_element_type3A_8 : vector<1000x1xf32> to vector<1000x1xf32>
    %broadcast_in_dim3A_26 = vector.broadcast %broadcast_in_dim3A_25 : vector<1000x1xf32> to vector<1000x512xf32>
    %broadcast_in_dim3A_27 = vector.broadcast %jit3A : f32 to vector<1000x512xf32>
    %select_n3A = arith.select %eq3A_24, %broadcast_in_dim3A_26, %broadcast_in_dim3A_27 : vector<1000x512xi1>, vector<1000x512xf32>
    %reduce_min3A_28 = arith.constant dense<0x7F800000> : vector<512xf32>
    %reduce_min3A_29 = vector.multi_reduction <minimumf>, %select_n3A, %reduce_min3A_28 [0] : vector<1000x512xf32> to vector<512xf32>
    %broadcast_in_dim3A_30 = vector.shape_cast %reduce_min3A_29 : vector<512xf32> to vector<1x512xf32>
    %get3A_31 = arith.constant 0 : index
    %get3A_32 = arith.constant 0 : index
    %get3A_33 = vector.load %arg4[%get3A_31, %get3A_32] : memref<1x1024xf32, #tpu.memory_space<vmem>>, vector<1x512xf32>
    %lt3A = arith.cmpf olt, %broadcast_in_dim3A_22, %get3A_33 : vector<1x512xf32>
    %get3A_34 = arith.constant 0 : index
    %get3A_35 = arith.constant 0 : index
    %get3A_36 = vector.load %arg4[%get3A_34, %get3A_35] : memref<1x1024xf32, #tpu.memory_space<vmem>>, vector<1x512xf32>
    %select_n3A_37 = arith.select %lt3A, %broadcast_in_dim3A_22, %get3A_36 : vector<1x512xi1>, vector<1x512xf32>
    %swap3A = arith.constant 0 : index
    %swap3A_38 = arith.constant 0 : index
    %swap3A_39 = vector.load %arg4[%swap3A, %swap3A_38] : memref<1x1024xf32, #tpu.memory_space<vmem>>, vector<1x512xf32>
    tpu.vector_store %arg4[%swap3A, %swap3A_38], %select_n3A_37 {strides = array<i32>} : memref<1x1024xf32, #tpu.memory_space<vmem>>, vector<1x512xf32>,
    %convert_element_type3A_40 = arith.fptosi %broadcast_in_dim3A_30 : vector<1x512xf32> to vector<1x512xi32>
    %add3A = vector.broadcast %mul3A_10 : i32 to vector<1x512xi32>
    %add3A_41 = arith.addi %add3A, %convert_element_type3A_40 : vector<1x512xi32>
    %get3A_42 = arith.constant 0 : index
    %get3A_43 = arith.constant 0 : index
    %get3A_44 = vector.load %arg5[%get3A_42, %get3A_43] : memref<1x1024xi32, #tpu.memory_space<vmem>>, vector<1x512xi32>
    %select_n3A_45 = arith.select %lt3A, %add3A_41, %get3A_44 : vector<1x512xi1>, vector<1x512xi32>
    %swap3A_46 = arith.constant 0 : index
    %swap3A_47 = arith.constant 0 : index
    %swap3A_48 = vector.load %arg5[%swap3A_46, %swap3A_47] : memref<1x1024xi32, #tpu.memory_space<vmem>>, vector<1x512xi32>
    tpu.vector_store %arg5[%swap3A_46, %swap3A_47], %select_n3A_45 {strides = array<i32>} : memref<1x1024xi32, #tpu.memory_space<vmem>>, vector<1x512xi32>,
    %sub3A_49 = vector.broadcast %mul3A_7 : vector<1000x1xf32> to vector<1000x512xf32>
    %sub3A_50 = arith.subf %sub3A_49, %dot_general3A_20 : vector<1000x512xf32>
    %reduce_min3A_51 = arith.constant dense<0x7F800000> : vector<512xf32>
    %reduce_min3A_52 = vector.multi_reduction <minimumf>, %sub3A_50, %reduce_min3A_51 [0] : vector<1000x512xf32> to vector<512xf32>
    %broadcast_in_dim3A_53 = vector.shape_cast %reduce_min3A_52 : vector<512xf32> to vector<1x512xf32>
    %eq3A_54 = vector.broadcast %broadcast_in_dim3A_53 : vector<1x512xf32> to vector<1000x512xf32>
    %eq3A_55 = arith.cmpf oeq, %sub3A_50, %eq3A_54 : vector<1000x512xf32>
    %jit3A_56 = arith.constant 0x7F800000 : f32
    %broadcast_in_dim3A_57 = vector.shape_cast %convert_element_type3A_8 : vector<1000x1xf32> to vector<1000x1xf32>
    %broadcast_in_dim3A_58 = vector.broadcast %broadcast_in_dim3A_57 : vector<1000x1xf32> to vector<1000x512xf32>
    %broadcast_in_dim3A_59 = vector.broadcast %jit3A_56 : f32 to vector<1000x512xf32>
    %select_n3A_60 = arith.select %eq3A_55, %broadcast_in_dim3A_58, %broadcast_in_dim3A_59 : vector<1000x512xi1>, vector<1000x512xf32>
    %reduce_min3A_61 = arith.constant dense<0x7F800000> : vector<512xf32>
    %reduce_min3A_62 = vector.multi_reduction <minimumf>, %select_n3A_60, %reduce_min3A_61 [0] : vector<1000x512xf32> to vector<512xf32>
    %broadcast_in_dim3A_63 = vector.shape_cast %reduce_min3A_62 : vector<512xf32> to vector<1x512xf32>
    %get3A_64 = arith.constant 0 : index
    %get3A_65 = arith.constant 512 : index
    %get3A_66 = vector.load %arg4[%get3A_64, %get3A_65] : memref<1x1024xf32, #tpu.memory_space<vmem>>, vector<1x512xf32>
    %lt3A_67 = arith.cmpf olt, %broadcast_in_dim3A_53, %get3A_66 : vector<1x512xf32>
    %get3A_68 = arith.constant 0 : index
    %get3A_69 = arith.constant 512 : index
    %get3A_70 = vector.load %arg4[%get3A_68, %get3A_69] : memref<1x1024xf32, #tpu.memory_space<vmem>>, vector<1x512xf32>
    %select_n3A_71 = arith.select %lt3A_67, %broadcast_in_dim3A_53, %get3A_70 : vector<1x512xi1>, vector<1x512xf32>
    %swap3A_72 = arith.constant 0 : index
    %swap3A_73 = arith.constant 512 : index
    %swap3A_74 = vector.load %arg4[%swap3A_72, %swap3A_73] : memref<1x1024xf32, #tpu.memory_space<vmem>>, vector<1x512xf32>
    tpu.vector_store %arg4[%swap3A_72, %swap3A_73], %select_n3A_71 {strides = array<i32>} : memref<1x1024xf32, #tpu.memory_space<vmem>>, vector<1x512xf32>,
    %convert_element_type3A_75 = arith.fptosi %broadcast_in_dim3A_63 : vector<1x512xf32> to vector<1x512xi32>
    %add3A_76 = vector.broadcast %mul3A_10 : i32 to vector<1x512xi32>
    %add3A_77 = arith.addi %add3A_76, %convert_element_type3A_75 : vector<1x512xi32>
    %get3A_78 = arith.constant 0 : index
    %get3A_79 = arith.constant 512 : index
    %get3A_80 = vector.load %arg5[%get3A_78, %get3A_79] : memref<1x1024xi32, #tpu.memory_space<vmem>>, vector<1x512xi32>
    %select_n3A_81 = arith.select %lt3A_67, %add3A_77, %get3A_80 : vector<1x512xi1>, vector<1x512xi32>
    %swap3A_82 = arith.constant 0 : index
    %swap3A_83 = arith.constant 512 : index
    %swap3A_84 = vector.load %arg5[%swap3A_82, %swap3A_83] : memref<1x1024xi32, #tpu.memory_space<vmem>>, vector<1x512xi32>
    tpu.vector_store %arg5[%swap3A_82, %swap3A_83], %select_n3A_81 {strides = array<i32>} : memref<1x1024xi32, #tpu.memory_space<vmem>>, vector<1x512xi32>,
    %eq3A_85 = arith.constant 99 : i32
    %eq3A_86 = arith.cmpi eq, %arg0, %eq3A_85 : i32
    %convert_element_type3A_87 = arith.extui %eq3A_86 : i1 to i32
    %cond3A_88 = arith.constant 0 : i32
    %cond3A_89 = arith.cmpi ne, %convert_element_type3A_87, %cond3A_88 : i32
    scf.if %cond3A_89 {
      %get3A_90 = arith.constant 0 : index
      %get3A_91 = arith.constant 0 : index
      %get3A_92 = vector.load %arg5[%get3A_90, %get3A_91] : memref<1x1024xi32, #tpu.memory_space<vmem>>, vector<1x1024xi32>
      %swap3A_93 = arith.constant 0 : index
      %swap3A_94 = arith.constant 0 : index
      %swap3A_95 = vector.load %arg3[%swap3A_93, %swap3A_94] : memref<1x1024xi32, #tpu.memory_space<vmem>>, vector<1x1024xi32>
      tpu.vector_store %arg3[%swap3A_93, %swap3A_94], %get3A_92 {strides = array<i32>} : memref<1x1024xi32, #tpu.memory_space<vmem>>, vector<1x1024xi32>,
    } else {
    }
    return
  }
  func.func @transform_0(%arg0: i32) -> (i32, i32) {
    %c0_i32 = arith.constant 0 : i32
    %c0_i32_0 = arith.constant 0 : i32
    %c0_i32_1 = arith.constant 0 : i32
    return %c0_i32, %c0_i32_0 : i32, i32
  }
  func.func @transform_1(%arg0: i32) -> (i32, i32) {
    %c0_i32 = arith.constant 0 : i32
    %c0_i32_0 = arith.constant 0 : i32
    return %arg0, %c0_i32 : i32, i32
  }
  func.func @transform_2(%arg0: i32) -> (i32, i32) {
    %c0_i32 = arith.constant 0 : i32
    %c0_i32_0 = arith.constant 0 : i32
    %c0_i32_1 = arith.constant 0 : i32
    return %c0_i32, %c0_i32_0 : i32, i32
  }
}

</mosaic_0001>

<sc_bundles>
// kernel: kernel.4.cloned.1.call-start
scs
__scs_entry_jumppad:
0x0: {  	(pc) =	sbr.rel $0x88, $3  }
0x1: {  	(tag) =	ssettag $0x0;
	lr =	simm.s32 $0x1  }
0x2: {  	[smem:$0x3F9F] =	sst lr;
	_ =	strace $0xD0000000  }
0x3: {  	_ = 	snop  }
0x4: {  	_ = 	snop  }
0x5: {  	_ = 	snop  }
0x6: {  	_ = 	snop  }
0x7: {  	_ = 	snop  }
__scs_overlays_trampoline_lowered:
0x8: {  	[smem:$0x3FAE] =	sst s0  }
0x9: {  	[smem:$0x3FAF] =	sst s1  }
0xa: {  	[smem:$0x3FB0] =	sst s2  }
0xb: {  	[smem:$0x3FB1] =	sst s3  }
0xc: {  	[smem:$0x3FB2] =	sst s4  }
0xd: {  	[smem:$0x3FB3] =	sst s5  }
0xe: {  	[smem:$0x3FB4] =	sst s6  }
0xf: {  	[smem:$0x3FB5] =	sst s7  }
0x10: {  	[smem:$0x3FB6] =	sst s8  }
0x11: {  	[smem:$0x3FB7] =	sst s9;
	s0 =	simm.s32 @!p0 $0x0  }
0x12: {  	s1 =	sld [smem:$0x3F9D];
	s0 =	simm.s32 @p0 $0x1  }
0x13: {  	[smem:$0x3FB8] =	sst s0;
	s0 =	simm.s32 @!p1 $0x0  }
0x14: {  	s2 =	sld [smem:$0x3F9C];
	s0 =	simm.s32 @p1 $0x1  }
0x15: {  	[smem:$0x3FB9] =	sst s0;
	s0 =	simm.s32 @!p2 $0x0  }
0x16: {  	s3 =	sld [smem:$0x3FDB];
	s0 =	simm.s32 @p2 $0x1  }
0x17: {  	s4 =	simm.s32 $0x1BF5;
	[smem:$0x3FBB] =	sst s0  }
0x18: {  	s0 =	sld [smem:$0x3F9E];
	_ =	swait.ge [sflag:s4], $0x0  }
0x19: {  	s7 =	sld [smem:$0x3F9F]  }
0x1a: {  	s8 =	sadd.s32 $0xFFFFE003, lr  }
0x1b: {  	s9 =	sadd.s32 $0xFFFFFEF7, lr;
	s5 =	simm.s32 $0xFFFFFFFF;
	p2 =	slt.u32 s8, $0xFFFFF086  }
0x1c: {  	p1 =	slt.u32 s9, $0xF7A;
	s5 =	simm.s32 @!p2 $0x0  }
0x1d: {  	s5 =	simm.s32 @p1 $0x1;
	p0 =	seq.s32 s7, s2  }
0x1e: {  	s7 =	smul.u32 @!p0 $0xF7A, s2;
	p2 =	seq.s32 @!p0 s5, $0x0  }
0x1f: {  	s9 =	smul.u32 $0xF7A, s1;
	s8 =	simm.s32 @!p0 $0x1BF5;
	p2 =	por !p2, p0  }
0x20: {  	[sflag:s8] =	ssyncset.s32 @!p0 $0xFFFFF086;
	s6 =	sadd.s32 @!p0 s3, s7;
	s7 =	simm.s32 @!p0 $0x108  }
0x21: {  	s3 =	sadd.s32 s3, s9;
	s6 =	sadd.s32 @!p0 $0x88, s6;
	s7 =	simm.s32 @p2 $0x1082  }
0x22: {  	[simem:s7], [sflag:s8] =	dma.local @!p0 [hbm:s6], $0xF7A  }
0x23: {  	s9 =	sor.u32 $0xD0000000, s2;
	s6 =	simm.s32 $0x108;
	_ =	swait.ge @!p0 [sflag:s8], $0x0  }
0x24: {  	s3 =	sadd.s32 $0x88, s3;
	s6 =	simm.s32 @!p1 $0x1082;
	[sflag:s4] =	ssyncset.s32 $0xFFFFF086  }
0x25: {  	[simem:s6], [sflag:s4] =	dma.local [hbm:s3], $0xF7A  }
0x26: {  	[smem:$0x3F9F] =	sst s1;
	(tag) =	ssettag s2;
	_ =	strace s9  }
0x27: {  	s1 =	sld [smem:$0x3FAF]  }
0x28: {  	s2 =	sld [smem:$0x3FB0]  }
0x29: {  	s4 =	sld [smem:$0x3FB2]  }
0x2a: {  	p0 =	seq.s32 s5, $0x0;
	s5 =	sld [smem:$0x3FB3]  }
0x2b: {  	s6 =	sld [smem:$0x3FB4]  }
0x2c: {  	s7 =	sld [smem:$0x3FB5]  }
0x2d: {  	s3 =	simm.s32 $0x108;
	s8 =	sld [smem:$0x3FB6]  }
0x2e: {  	s3 =	simm.s32 @!p0 $0x1082;
	s9 =	sld [smem:$0x3FB7]  }
0x2f: {  	lr =	sadd.s32 s0, s3;
	s0 =	sld [smem:$0x3FAE]  }
0x30: {  	s3 =	sld [smem:$0x3FB1]  }
0x31: {  	[smem:$0x3FBA] =	sst s10  }
0x32: {  	s10 =	sld [smem:$0x3FB8];
	_ =	sdelay $0x3  }
0x33: {  	p0 =	seq.s32 s10, $0x1;
	s10 =	sld [smem:$0x3FBA];
	_ =	sdelay $0x3  }
0x34: {  	[smem:$0x3FBA] =	sst s10  }
0x35: {  	s10 =	sld [smem:$0x3FB9];
	_ =	sdelay $0x3  }
0x36: {  	p1 =	seq.s32 s10, $0x1;
	s10 =	sld [smem:$0x3FBA];
	_ =	sdelay $0x3  }
0x37: {  	[smem:$0x3FBA] =	sst s10  }
0x38: {  	s10 =	sld [smem:$0x3FBB]  }
0x39: {  	_ = 	snop;
	(pc) =	sbr.ind lr, $3  }
0x3a: {  	_ = 	snop  }
0x3b: {  	_ = 	snop  }
0x3c: {  	p2 =	seq.s32 s10, $0x1;
	s10 =	sld [smem:$0x3FBA]  }
0x3d: {  	_ =	shalt  }
0x3e: {  	_ =	shalt  }
0x3f: {  	_ =	shalt  }
0x40: {  	_ =	shalt  }
0x41: {  	_ =	shalt  }
0x42: {  	_ =	shalt  }
0x43: {  	_ =	shalt  }
0x44: {  	_ =	shalt  }
0x45: {  	_ =	shalt  }
0x46: {  	_ =	shalt  }
0x47: {  	_ =	shalt  }
0x48: {  	_ =	shalt  }
0x49: {  	_ =	shalt  }
0x4a: {  	_ =	shalt  }
0x4b: {  	_ =	shalt  }
0x4c: {  	_ =	shalt  }
0x4d: {  	_ =	shalt  }
0x4e: {  	_ =	shalt  }
0x4f: {  	_ =	shalt  }
0x50: {  	_ =	shalt  }
0x51: {  	_ =	shalt  }
0x52: {  	_ =	shalt  }
0x53: {  	_ =	shalt  }
0x54: {  	_ =	shalt  }
0x55: {  	_ =	shalt  }
0x56: {  	_ =	shalt  }
0x57: {  	_ =	shalt  }
0x58: {  	_ =	shalt  }
0x59: {  	_ =	shalt  }
0x5a: {  	_ =	shalt  }
0x5b: {  	_ =	shalt  }
0x5c: {  	_ =	shalt  }
0x5d: {  	_ =	shalt  }
0x5e: {  	_ =	shalt  }
0x5f: {  	_ =	shalt  }
0x60: {  	_ =	shalt  }
0x61: {  	_ =	shalt  }
0x62: {  	_ =	shalt  }
0x63: {  	_ =	shalt  }
0x64: {  	_ =	shalt  }
0x65: {  	_ =	shalt  }
0x66: {  	_ =	shalt  }
0x67: {  	_ =	shalt  }
0x68: {  	_ =	shalt  }
0x69: {  	_ =	shalt  }
0x6a: {  	_ =	shalt  }
0x6b: {  	_ =	shalt  }
0x6c: {  	_ =	shalt  }
0x6d: {  	_ =	shalt  }
0x6e: {  	_ =	shalt  }
0x6f: {  	_ =	shalt  }
0x70: {  	_ =	shalt  }
0x71: {  	_ =	shalt  }
0x72: {  	_ =	shalt  }
0x73: {  	_ =	shalt  }
0x74: {  	_ =	shalt  }
0x75: {  	_ =	shalt  }
0x76: {  	_ =	shalt  }
0x77: {  	_ =	shalt  }
0x78: {  	_ =	shalt  }
0x79: {  	_ =	shalt  }
0x7a: {  	_ =	shalt  }
0x7b: {  	_ =	shalt  }
0x7c: {  	_ =	shalt  }
0x7d: {  	_ =	shalt  }
0x7e: {  	_ =	shalt  }
0x7f: {  	_ =	shalt  }
0x80: {  	_ =	shalt  }
0x81: {  	_ =	shalt  }
0x82: {  	_ =	shalt  }
0x83: {  	_ =	shalt  }
0x84: {  	_ =	shalt  }
0x85: {  	_ =	shalt  }
0x86: {  	_ =	shalt  }
0x87: {  	_ =	shalt  }
.Lfunc_end0:
.L_simem_size_0:
called_computation_lowered:
.L_overlay_start_0:
0x88: {  	s2 =	sld [smem:$0x3FD9]  }
0x89: {  	s3 =	sld [smem:$0x3FFE];
	_ =	sdelay $0x1  }
0x8a: {  	s1 =	srdreg.scid  }
0x8b: {  	s0 =	sand.u32 $0x1, s1  }
0x8c: {  	s17 =	sshll.u32 s0, $0xA;
	s2 =	sadd.s32 s3, s2  }
0x8d: {  	s2 =	sadd.s32 s2, s17  }
0x8e: {  	[smem:$0x3FC6] =	sst s2  }
0x8f: {  	_ = 	snop  }
0x90: {  	s2 =	sld [smem:$0x3FC8]  }
0x91: {  	s18 =	sld [smem:$0x3FD0];
	(tm) =	ssettm $0x1  }
0x92: {  	s4 =	sld [smem:$0x3FFB];
	_ =	sdelay $0x3  }
0x93: {  	_ =	strace s4  }
0x94: {  	s4 =	sld [smem:$0x3FFC];
	_ =	sdelay $0x3  }
0x95: {  	_ =	strace s4  }
0x96: {  	s4 =	sld [smem:$0x3FFD];
	_ =	sdelay $0x3  }
0x97: {  	_ =	strace s4  }
0x98: {  	_ =	strace $0x8FFFFFFF  }
0x99: {  	s19 =	sld [smem:$0x3FDB];
	_ =	sdelay $0x1  }
0x9a: {  	s5 =	simm.s32 $_scs_section_size  }
0x9b: {  	s6 =	simm.s32 $_size__tile_overlayer_lowered;
	s7 =	simm.s32 $_tile_overlayer_lowered  }
0x9c: {  	s22 =	simm.s32 $0x1BFF;
	s21 =	sshll.u32 s7, $0x1;
	s4 =	sadd.s32 s5, s19  }
0x9d: {  	s8 =	simm.s32 $0x0;
	s20 =	sshll.u32 s6, $0x1;
	s6 =	sadd.s32 s21, s4  }
0x9e: {  	[timem:s8], [sflag:s22] =	dma.local [hbm:s6], s20  }
0x9f: {  	_ =	swait.ge [sflag:s22], s20  }
0xa0: {  	s5 =	ssub.s32 $0x0, s20;
	[sflag:s22] =	ssyncset.done $0x0  }
0xa1: {  	[sflag:s22] =	ssyncadd.s32 s5;
	_ =	sdelay $0x1  }
0xa2: {  	s23 =	simm.s32 $0x1B8B  }
0xa3: {  	_ =	swait.ge [sflag:s23], $0x1  }
0xa4: {  	[sflag:s23] =	ssyncset.done $0x0  }
0xa5: {  	s25 =	simm.s32 $0x1B8E;
	s24 =	sld [smem:$0x3FFE];
	[sflag:s23] =	ssyncadd.s32 $0xFFFFFFFF  }
0xa6: {  	s26 =	simm.s32 $execute0_lowered;
	[smem:$0x3FD2] =	sst s25  }
0xa7: {  	s6 =	sshll.u32 s26, $0x1;
	_ =	strace $0x80000046;
	[dreg:$0x1] =	wrdreg $0xFFFFFFFF  }
0xa8: {  	s28 =	simm.s32 $_size_execute0_lowered;
	s4 =	sadd.s32 s4, s6;
	[dreg:$0x0] =	wrdreg $0x0  }
0xa9: {  	s6 =	sshll.u32 s28, $0x1;
	[dreg:$0x2] =	wrdreg s4  }
0xaa: {  	[dreg:$0x3] =	wrdreg s6  }
0xab: {  	[dreg:$0x4] =	wrdreg $0xC0  }
0xac: {  	_ =	task [dreg:s8], $0x5FFFF  }
0xad: {  	[dreg:$0x1] =	wrdreg $0xFFFFFFFF  }
0xae: {  	[dreg:$0x0] =	wrdreg $0x60  }
0xaf: {  	[dreg:$0x2] =	wrdreg s2  }
0xb0: {  	[dreg:$0x3] =	wrdreg s24  }
0xb1: {  	[dreg:$0x4] =	wrdreg s18  }
0xb2: {  	[dreg:$0x5] =	wrdreg $0x9  }
0xb3: {  	_ =	task.clear_ibuf [dreg:s8], $0x6FFFF;
	_ =	strace $0x90000046  }
0xb4: {  	s29 =	simm.s32 $0x9;
	_ =	strace $0x80000048  }
0xb5: {  	_ =	swait.ge [sflag:s29], $0x1  }
0xb6: {  	[sflag:s29] =	ssyncadd.s32 $0xFFFFFFFF  }
0xb7: {  	_ =	strace $0x90000048  }
0xb8: {  	_ =	sfence  }
0xb9: {  	s30 =	sld [smem:$0x0];
	_ =	sdelay $0x2  }
0xba: {  	s31 =	sshll.u32 s1, $0xD;
	s1 =	sshrl.u32 s1, $0x2  }
0xbb: {  	s3 =	sand.u32 $0x4000, s31;
	s1 =	sadd.s32 s1, s30  }
0xbc: {  	s0 =	sor.u32 s3, s0;
	s1 =	sshll.u32 s1, $0x11  }
0xbd: {  	s0 =	sor.u32 s1, s0  }
0xbe: {  	s0 =	sadd.s32 $0x8F2B, s0  }
0xbf: {  	[sflag:s0] =	ssyncadd.remote.s32 $0x1  }
0xc0: {  	_ =	sfence.sel $0xFFFF  }
0xc1: {  	[dreg:$0x0] =	wrdreg $0xFFFFFFFF;
	(pc) =	sbr.abs _section_cstart, $3  }
0xc2: {  	[dreg:$0x1] =	wrdreg $0xFFFFFFFF  }
0xc3: {  	_ =	task.clear_ibuf [dreg:s8], $0x2FFFF;
	_ =	strace $0x9FFFFFFF  }
0xc4: {  	(tm) =	ssettm $0x7FFFFFFF  }
0xc5: {  	_ =	shalt  }
tec
execute0_lowered:
.L_overlay_start_1:
0x0: {  	(tag) =	ssettag $0x1  }
0x1: {  	s1 =	rddreg [dreg:$0x0]  }
0x2: {  	s4 =	rddreg [dreg:$0x1]  }
0x3: {  	s7 =	rddreg [dreg:$0x2];
	s3 =	srdreg.scid  }
0x4: {  	s0 =	rddreg [dreg:$0x3];
	s2 =	stileid.u32;
	s10 =	simm.s32 $0x80  }
0x5: {  	s11 =	simm.s32 $0x880;
	s12 =	simm.s32 $0x1080;
	s13 =	simm.s32 $0x1880  }
0x6: {  	s14 =	simm.s32 $0x2080;
	s15 =	simm.s32 $0x2880;
	s16 =	simm.s32 $0x3080  }
0x7: {  	s17 =	simm.s32 $0x3880;
	s18 =	simm.s32 $0x4080;
	s19 =	simm.s32 $0x4880  }
0x8: {  	s20 =	simm.s32 $0x5080;
	s21 =	simm.s32 $0x5880;
	s22 =	simm.s32 $0x1  }
0x9: {  	s5 =	sand.u32 $0x1, s3;
	s3 =	simm.s32 $0x0;
	s6 =	sshll.u32 s2, $0x3  }
0xa: {  	s8 =	sshll.u32 s5, $0x2;
	[smem:$0x7FF] =	sst s3;
	s5 =	ssub.s32 $0x2, s5  }
0xb: {  	s6 =	sor.u32 s8, s6;
	s31 =	sshrl.u32 s5, $0x1;
	_ =	strace $0x80000047  }
0xc: {  	v2 =	vlaneseq.u32;
	s4 =	sadd.s32 s6, s4;
	s9 =	smul.u32 $0x300, s6;
	s8 =	ssub.s32 s5, s31  }
0xd: {  	vm0 =	vmmov $0xffff;
	v1 =	vshrl.u32 v2, $0x3;
	s5 =	sadd.s32 $0x100, s1;
	s6 =	sadd.s32 $0x200, s1;
	s4 =	sadd.s32 $0x800, s4  }
0xe: {  	v0 =	vand.u32 $0x7, v2;
	v2 =	vor.u32 $0x8, v2;
	v1 =	vmul.u32 $0x8, v1;
	s8 =	smax.u32 s8, $0x1;
	s7 =	sadd.s32 s7, s9;
	s9 =	simm.s32 $0x2  }
.LBB2_1:
0xf: {  	[tilespmem:s3], [sflag:$0x2] =	stream.linear.gather [hbm4b:s4+s3], $0x20, $0x38;
	[tilespmem:$0x6080] =	vst v63  }
0x10: {  	_ =	swait.ge [sflag:s9], $0x20  }
0x11: {  	[sflag:s9] =	ssyncset.done $0x0  }
0x12: {  	[sflag:s9] =	ssyncadd.s32 $0xFFFFFFE0  }
0x13: {  	v3 =	vld [tilespmem:$0x0];
	_ =	sdelay $0x4  }
0x14: {  	v4 =	vshrl.u32 v3, $0x3  }
0x15: {  	v4 =	vmul.u32 $0x30, v4  }
0x16: {  	v3 =	vand.u32 $0x7, v3  }
0x17: {  	v3 =	vor.u32 v3, v4  }
0x18: {  	v4 =	vperm.xlane v3, v0;
	_ =	sdelay $0x1  }
0x19: {  	v4 =	vadd.s32 v1, v4;
	_ =	sdelay $0x3  }
0x1a: {  	v3 =	vperm.xlane v3, v2  }
0x1b: {  	[tilespmem:s10], [sflag:$0x1] =	stream.indirect_vreg.gather [hbm4b:s1+s3], $0x80, v4, vm0, $0xb8;
	[tilespmem:$0x6080] =	vst v63  }
0x1c: {  	v3 =	vadd.s32 v1, v3  }
0x1d: {  	[tilespmem:s11], [sflag:$0x1] =	stream.indirect_vreg.gather [hbm4b:s5+s3], $0x80, v4, vm0, $0xb8;
	[tilespmem:$0x6080] =	vst v63  }
0x1e: {  	_ = 	snop  }
0x1f: {  	[tilespmem:s12], [sflag:$0x1] =	stream.indirect_vreg.gather [hbm4b:s6+s3], $0x80, v4, vm0, $0xb8;
	[tilespmem:$0x6080] =	vst v63  }
0x20: {  	_ = 	snop  }
0x21: {  	[tilespmem:s13], [sflag:$0x1] =	stream.indirect_vreg.gather [hbm4b:s1+s3], $0x80, v3, vm0, $0xb8;
	[tilespmem:$0x6080] =	vst v63  }
0x22: {  	_ = 	snop  }
0x23: {  	[tilespmem:s14], [sflag:$0x1] =	stream.indirect_vreg.gather [hbm4b:s5+s3], $0x80, v3, vm0, $0xb8;
	[tilespmem:$0x6080] =	vst v63  }
0x24: {  	_ = 	snop  }
0x25: {  	[tilespmem:s15], [sflag:$0x1] =	stream.indirect_vreg.gather [hbm4b:s6+s3], $0x80, v3, vm0, $0xb8;
	[tilespmem:$0x6080] =	vst v63  }
0x26: {  	v3 =	vld [tilespmem:$0x10];
	_ =	sdelay $0x4  }
0x27: {  	v63 =	vshrl.u32 v3, $0x3  }
0x28: {  	v4 =	vmul.u32 $0x30, v63  }
0x29: {  	v3 =	vand.u32 $0x7, v3  }
0x2a: {  	v3 =	vor.u32 v3, v4  }
0x2b: {  	v4 =	vperm.xlane v3, v0;
	_ =	sdelay $0x1  }
0x2c: {  	v4 =	vadd.s32 v1, v4;
	_ =	sdelay $0x3  }
0x2d: {  	v3 =	vperm.xlane v3, v2  }
0x2e: {  	[tilespmem:s16], [sflag:$0x1] =	stream.indirect_vreg.gather [hbm4b:s1+s3], $0x80, v4, vm0, $0xb8;
	[tilespmem:$0x6080] =	vst v63  }
0x2f: {  	v3 =	vadd.s32 v1, v3  }
0x30: {  	[tilespmem:s17], [sflag:$0x1] =	stream.indirect_vreg.gather [hbm4b:s5+s3], $0x80, v4, vm0, $0xb8;
	[tilespmem:$0x6080] =	vst v63  }
0x31: {  	_ = 	snop  }
0x32: {  	[tilespmem:s18], [sflag:$0x1] =	stream.indirect_vreg.gather [hbm4b:s6+s3], $0x80, v4, vm0, $0xb8;
	[tilespmem:$0x6080] =	vst v63  }
0x33: {  	_ = 	snop  }
0x34: {  	[tilespmem:s19], [sflag:$0x1] =	stream.indirect_vreg.gather [hbm4b:s1+s3], $0x80, v3, vm0, $0xb8;
	[tilespmem:$0x6080] =	vst v63  }
0x35: {  	_ = 	snop  }
0x36: {  	[tilespmem:s20], [sflag:$0x1] =	stream.indirect_vreg.gather [hbm4b:s5+s3], $0x80, v3, vm0, $0xb8;
	[tilespmem:$0x6080] =	vst v63  }
0x37: {  	_ = 	snop  }
0x38: {  	[tilespmem:s21], [sflag:$0x1] =	stream.indirect_vreg.gather [hbm4b:s6+s3], $0x80, v3, vm0, $0xb8;
	[tilespmem:$0x6080] =	vst v63  }
0x39: {  	_ =	swait.ge [sflag:s22], $0x6000  }
0x3a: {  	p0 =	sne.s32 s8, $0x1;
	[sflag:s22] =	ssyncset.done $0x0  }
.Ltmp0:
0x3b: {  	[sflag:s22] =	ssyncadd.s32 $0xFFFFA000;
	(pc) =	sbr.rel @p0 .LBB2_1-.Ltmp0, $4  }
0x3c: {  	[hbm4b:s7+s3] =	stream.linear.scatter [tilespmem:s10], [sflag:$0x2], $0x6000, $0x38;
	[tilespmem:$0x6080] =	vst v63  }
0x3d: {  	_ =	swait.ge [sflag:s9], $0x6000  }
0x3e: {  	[sflag:s9] =	ssyncset.done $0x0  }
0x3f: {  	s8 =	sadd.s32 $0xFFFFFFFF, s8;
	[sflag:s9] =	ssyncadd.s32 $0xFFFFA000  }
0x40: {  	_ =	sfence.sel $0x180000  }
0x41: {  	[bflag:$0x0] =	sbarrier.arrive $0xFFFF  }
0x42: {  	p0 =	sne.s32 s2, $0x0;
	_ =	strace $0x90000047  }
0x43: {  	s0 =	sadd.s32 @!p0 $0x100000, s0;
	[bflag:$0x2] =	sbarrier.arrive $0xFFFF  }
0x44: {  	[sflag:s0] =	ssyncadd.tile.s32 @!p0 $0x1;
	_ =	shalt  }
.Lfunc_end2:
_tile_overlayer_lowered:
.L_overlay_start_2:
0x45: {  	(tag) =	ssettag $0x2  }
0x46: {  	s0 =	rddreg [dreg:$0x0];
	s2 =	stileid.u32  }
0x47: {  	s1 =	rddreg [dreg:$0x1];
	p0 =	sne.s32 s2, $0x0  }
0x48: {  	s3 =	rddreg [dreg:$0x2];
	[bflag:$0x3] =	sbarrier.arrive $0xFFFF;
	s2 =	simm.s32 @!p0 $0x1C02  }
0x49: {  	[timem:s3], [sflag:s2] =	dma.local @!p0 [hbm:s0], s1  }
0x4a: {  	s0 =	simm.s32 @!p0 $0x2  }
0x4b: {  	_ =	swait.ge @!p0 [sflag:s0], s1  }
0x4c: {  	s1 =	ssub.s32 @!p0 $0x0, s1;
	[sflag:s0] =	ssyncset.done @!p0 $0x0  }
0x4d: {  	[sflag:s0] =	ssyncadd.s32 @!p0 s1  }
0x4e: {  	[bflag:$0x3] =	sbarrier.arrive $0xFFFF  }
0x4f: {  	_ =	shalt  }

</sc_bundles>
